<compile_context>
chip_gen: v7x
topology: tpu7x:2x2x1
jax: 0.10.2.dev20260603
libtpu: 0.0.44.dev20260713+nightly
codegen_flags: <defaults>
</compile_context>

<pallas_src>
import functools

import numpy as np
import jax
import jax.numpy as jnp
from jax.experimental import pallas as pl
from jax.experimental.pallas import tpu as pltpu

_N = 16
_SRC = np.array([0, 0, 0, 0, 1, 1, 2, 2, 3, 4, 4, 4, 4, 5, 5, 5, 6, 6, 7, 8,
                 8, 8, 8, 9, 9, 10, 10, 11, 12, 12, 12, 13, 13, 14, 14, 15],
                dtype=np.int32)
_DST = np.array([1, 4, 5, 8, 0, 2, 1, 3, 2, 0, 5, 8, 12, 0, 4, 6, 5, 7, 6, 0,
                 4, 9, 12, 8, 10, 9, 11, 10, 4, 8, 13, 12, 14, 13, 15, 14],
                dtype=np.int32)


def _normalized_adjacency() -> np.ndarray:
    src = np.concatenate([_SRC, np.arange(_N, dtype=np.int32)])
    dst = np.concatenate([_DST, np.arange(_N, dtype=np.int32)])
    deg = np.zeros((_N,), dtype=np.float64)
    np.add.at(deg, dst, 1.0)
    dinv = 1.0 / np.sqrt(deg)
    a_hat = np.zeros((_N, _N), dtype=np.float64)
    np.add.at(a_hat, (dst, src), dinv[src] * dinv[dst])
    return a_hat.astype(np.float32)


_AHAT = _normalized_adjacency()


def _kron_weight(W):
    fin, fout = W.shape
    k = jnp.einsum('mn,fg->nfmg', jnp.asarray(_AHAT), W)
    return k.reshape(_N * fin, _N * fout)


def _fused_kernel(x_ref, k1, bb1, k2, bb2, k3, bb3, k4, bb4,
                  f1w, f1b, f2w, f2b, o_ref):
    def mm(a, w):
        return jnp.dot(a.astype(jnp.bfloat16), w[...],
                       preferred_element_type=jnp.float32)

    h = x_ref[...]
    h = jnp.maximum(mm(h, k1) + bb1[...], 0.0)
    h = jnp.maximum(mm(h, k2) + bb2[...], 0.0)
    h = jnp.maximum(mm(h, k3) + bb3[...], 0.0)
    h = jnp.maximum(mm(h, k4) + bb4[...], 0.0)
    h = mm(h, f1w) + f1b[...]
    h = mm(h, f2w) + f2b[...]
    o_ref[...] = jnp.where(h > 0.0, h, jnp.exp(jnp.minimum(h, 0.0)) - 1.0)


def kernel(obs, W1, b1, W2, b2, W3, b3, W4, b4, fc1_w, fc1_b, fc2_w, fc2_b):
    B = obs.shape[0]
    x = obs.reshape(B, _N * obs.shape[2])

    k1 = _kron_weight(W1)
    k2 = _kron_weight(W2)
    k3 = _kron_weight(W3)
    k4 = _kron_weight(W4)
    bb1 = jnp.tile(b1, _N)[None, :]
    bb2 = jnp.tile(b2, _N)[None, :]
    bb3 = jnp.tile(b3, _N)[None, :]
    bb4 = jnp.tile(b4, _N)[None, :]

    T = min(512, B)
    grid = (B // T,)

    def full(a):
        return pl.BlockSpec(a.shape, lambda i: (0,) * a.ndim)

    bf = jnp.bfloat16
    weights = (k1.astype(bf), bb1, k2.astype(bf), bb2, k3.astype(bf), bb3,
               k4.astype(bf), bb4, fc1_w.astype(bf), fc1_b[None, :],
               fc2_w.astype(bf), fc2_b[None, :])

    out = pl.pallas_call(
        _fused_kernel,
        grid=grid,
        in_specs=[pl.BlockSpec((T, x.shape[1]), lambda i: (i, 0))]
                 + [full(w) for w in weights],
        out_specs=pl.BlockSpec((T, 256), lambda i: (i, 0)),
        out_shape=jax.ShapeDtypeStruct((B, 256), jnp.float32),
        compiler_params=pltpu.CompilerParams(
            dimension_semantics=("parallel",)),
    )(x, *weights)
    return out

# --- scband reference (transcript-rebuilt; emitter-appended) ---
"""Pipeline reference for scband-gcn-67293547593910 (READ-ONLY COPY).

The authoritative reference and input builder live on the scoring server;
editing this copy changes nothing except your own understanding.
"""

import jax, jax.numpy as jnp
import numpy as np

N_NODES = 16
_SRC = np.array([0, 0, 0, 0, 1, 1, 2, 2, 3, 4, 4, 4, 4, 5, 5, 5, 6, 6, 7, 8, 8, 8, 8, 9, 9, 10, 10, 11, 12, 12, 12, 13, 13, 14, 14, 15], dtype=np.int32)
_DST = np.array([1, 4, 5, 8, 0, 2, 1, 3, 2, 0, 5, 8, 12, 0, 4, 6, 5, 7, 6, 0, 4, 9, 12, 8, 10, 9, 11, 10, 4, 8, 13, 12, 14, 13, 15, 14], dtype=np.int32)
SRC = jnp.concatenate([jnp.asarray(_SRC), jnp.arange(N_NODES, dtype=jnp.int32)])
DST = jnp.concatenate([jnp.asarray(_DST), jnp.arange(N_NODES, dtype=jnp.int32)])


def _gcn_conv(x, W, b):
    # x: [B, N, Fin] -> [B, N, Fout]; GCNConv: D^-1/2 (A+I) D^-1/2 (x W) + b
    x = x @ W
    deg = jnp.zeros((N_NODES,), dtype=x.dtype).at[DST].add(1.0)
    dinv = jnp.where(deg > 0, 1.0 / jnp.sqrt(deg), 0.0)
    norm = dinv[SRC] * dinv[DST]
    msgs = x[:, SRC, :] * norm[None, :, None]
    out = jnp.zeros_like(x).at[:, DST, :].add(msgs)
    return out + b


def setup_inputs(seed: int = 0) -> dict:
    key = jax.random.key(seed)
    ks = jax.random.split(key, 13)
    B, D = 16384, 128

    def glorot(k, fan_in, fan_out):
        s = jnp.sqrt(6.0 / (fan_in + fan_out))
        return jax.random.uniform(k, (fan_in, fan_out), jnp.float32, -s, s)

    return {
        'obs': jax.random.normal(ks[0], (B, N_NODES, D), dtype=jnp.float32),
        'W1': glorot(ks[1], D, 32), 'b1': jnp.zeros((32,), jnp.float32),
        'W2': glorot(ks[2], 32, 64), 'b2': jnp.zeros((64,), jnp.float32),
        'W3': glorot(ks[3], 64, 32), 'b3': jnp.zeros((32,), jnp.float32),
        'W4': glorot(ks[4], 32, 16), 'b4': jnp.zeros((16,), jnp.float32),
        'fc1_w': glorot(ks[5], 16 * 16, 128), 'fc1_b': jnp.zeros((128,), jnp.float32),
        'fc2_w': glorot(ks[6], 128, 256), 'fc2_b': jnp.zeros((256,), jnp.float32),
    }


def reference(obs, W1, b1, W2, b2, W3, b3, W4, b4, fc1_w, fc1_b, fc2_w, fc2_b):
    x = jax.nn.relu(_gcn_conv(obs, W1, b1))
    x = jax.nn.relu(_gcn_conv(x, W2, b2))
    x = jax.nn.relu(_gcn_conv(x, W3, b3))
    x = jax.nn.relu(_gcn_conv(x, W4, b4))
    x = x.reshape(-1, x.shape[1] * x.shape[2])
    x = x @ fc1_w + fc1_b
    x = x @ fc2_w + fc2_b
    x = jax.nn.elu(x)
    return x

if __name__ == "__main__":
    import jax
    _d = setup_inputs()
    print(jax.jit(kernel)(*tuple(_d.values())))

</pallas_src>

<mosaic_0001>
module attributes {stable_mosaic.version = 14 : i64} {
  func.func @_fused_kernel(%arg0: i32, %arg1: memref<512x2048xf32, #tpu.memory_space<vmem>>, %arg2: memref<2048x512xbf16, #tpu.memory_space<vmem>>, %arg3: memref<1x512xf32, #tpu.memory_space<vmem>>, %arg4: memref<512x1024xbf16, #tpu.memory_space<vmem>>, %arg5: memref<1x1024xf32, #tpu.memory_space<vmem>>, %arg6: memref<1024x512xbf16, #tpu.memory_space<vmem>>, %arg7: memref<1x512xf32, #tpu.memory_space<vmem>>, %arg8: memref<512x256xbf16, #tpu.memory_space<vmem>>, %arg9: memref<1x256xf32, #tpu.memory_space<vmem>>, %arg10: memref<256x128xbf16, #tpu.memory_space<vmem>>, %arg11: memref<1x128xf32, #tpu.memory_space<vmem>>, %arg12: memref<128x256xbf16, #tpu.memory_space<vmem>>, %arg13: memref<1x256xf32, #tpu.memory_space<vmem>>, %arg14: memref<512x256xf32, #tpu.memory_space<vmem>>) attributes {dimension_semantics = [#tpu.dimension_semantics<parallel>], iteration_bounds = array<i64: 32>, scalar_prefetch = 0 : i64, scratch_operands = 0 : i64, tpu.core_type = #tpu.core_type<tc>, window_params = [{transform_indices = @transform_0, window_bounds = array<i64: 512, 2048>}, {pipeline_mode = #tpu.pipeline_mode<synchronous>, transform_indices = @transform_1, window_bounds = array<i64: 2048, 512>}, {pipeline_mode = #tpu.pipeline_mode<synchronous>, transform_indices = @transform_2, window_bounds = array<i64: 1, 512>}, {pipeline_mode = #tpu.pipeline_mode<synchronous>, transform_indices = @transform_3, window_bounds = array<i64: 512, 1024>}, {pipeline_mode = #tpu.pipeline_mode<synchronous>, transform_indices = @transform_4, window_bounds = array<i64: 1, 1024>}, {pipeline_mode = #tpu.pipeline_mode<synchronous>, transform_indices = @transform_5, window_bounds = array<i64: 1024, 512>}, {pipeline_mode = #tpu.pipeline_mode<synchronous>, transform_indices = @transform_6, window_bounds = array<i64: 1, 512>}, {pipeline_mode = #tpu.pipeline_mode<synchronous>, transform_indices = @transform_7, window_bounds = array<i64: 512, 256>}, {pipeline_mode = #tpu.pipeline_mode<synchronous>, transform_indices = @transform_8, window_bounds = array<i64: 1, 256>}, {pipeline_mode = #tpu.pipeline_mode<synchronous>, transform_indices = @transform_9, window_bounds = array<i64: 256, 128>}, {pipeline_mode = #tpu.pipeline_mode<synchronous>, transform_indices = @transform_10, window_bounds = array<i64: 1, 128>}, {pipeline_mode = #tpu.pipeline_mode<synchronous>, transform_indices = @transform_11, window_bounds = array<i64: 128, 256>}, {pipeline_mode = #tpu.pipeline_mode<synchronous>, transform_indices = @transform_12, window_bounds = array<i64: 1, 256>}, {transform_indices = @transform_13, window_bounds = array<i64: 512, 256>}]} {
    %get3A = arith.constant 0 : index
    %get3A_0 = arith.constant 0 : index
    %get3A_1 = vector.load %arg1[%get3A, %get3A_0] : memref<512x2048xf32, #tpu.memory_space<vmem>>, vector<512x2048xf32>
    %convert_element_type3A = arith.truncf %get3A_1 : vector<512x2048xf32> to vector<512x2048xbf16>
    %get3A_2 = arith.constant 0 : index
    %get3A_3 = arith.constant 0 : index
    %get3A_4 = vector.load %arg2[%get3A_2, %get3A_3] : memref<2048x512xbf16, #tpu.memory_space<vmem>>, vector<2048x512xbf16>
    %dot_general3A = arith.constant dense<0.000000e+00> : vector<512x512xf32>
    %dot_general3A_5 = tpu.matmul %convert_element_type3A, %get3A_4, %dot_general3A {dimension_numbers = #tpu.dot_dimension_numbers<[1], [0], [0], [1], [0, 0, 1, 1], [], []>, transpose_lhs_hint = false} : vector<512x2048xbf16>, vector<2048x512xbf16>, vector<512x512xf32> -> vector<512x512xf32>
    %get3A_6 = arith.constant 0 : index
    %get3A_7 = arith.constant 0 : index
    %get3A_8 = vector.load %arg3[%get3A_6, %get3A_7] : memref<1x512xf32, #tpu.memory_space<vmem>>, vector<1x512xf32>
    %add3A = vector.broadcast %get3A_8 : vector<1x512xf32> to vector<512x512xf32>
    %add3A_9 = arith.addf %dot_general3A_5, %add3A : vector<512x512xf32>
    %max3A = arith.constant 0.000000e+00 : f32
    %max3A_10 = vector.broadcast %max3A : f32 to vector<512x512xf32>
    %max3A_11 = arith.maximumf %add3A_9, %max3A_10 : vector<512x512xf32>
    %convert_element_type3A_12 = arith.truncf %max3A_11 : vector<512x512xf32> to vector<512x512xbf16>
    %get3A_13 = arith.constant 0 : index
    %get3A_14 = arith.constant 0 : index
    %get3A_15 = vector.load %arg4[%get3A_13, %get3A_14] : memref<512x1024xbf16, #tpu.memory_space<vmem>>, vector<512x1024xbf16>
    %dot_general3A_16 = arith.constant dense<0.000000e+00> : vector<512x1024xf32>
    %dot_general3A_17 = tpu.matmul %convert_element_type3A_12, %get3A_15, %dot_general3A_16 {dimension_numbers = #tpu.dot_dimension_numbers<[1], [0], [0], [1], [0, 0, 1, 1], [], []>, transpose_lhs_hint = false} : vector<512x512xbf16>, vector<512x1024xbf16>, vector<512x1024xf32> -> vector<512x1024xf32>
    %get3A_18 = arith.constant 0 : index
    %get3A_19 = arith.constant 0 : index
    %get3A_20 = vector.load %arg5[%get3A_18, %get3A_19] : memref<1x1024xf32, #tpu.memory_space<vmem>>, vector<1x1024xf32>
    %add3A_21 = vector.broadcast %get3A_20 : vector<1x1024xf32> to vector<512x1024xf32>
    %add3A_22 = arith.addf %dot_general3A_17, %add3A_21 : vector<512x1024xf32>
    %max3A_23 = arith.constant 0.000000e+00 : f32
    %max3A_24 = vector.broadcast %max3A_23 : f32 to vector<512x1024xf32>
    %max3A_25 = arith.maximumf %add3A_22, %max3A_24 : vector<512x1024xf32>
    %convert_element_type3A_26 = arith.truncf %max3A_25 : vector<512x1024xf32> to vector<512x1024xbf16>
    %get3A_27 = arith.constant 0 : index
    %get3A_28 = arith.constant 0 : index
    %get3A_29 = vector.load %arg6[%get3A_27, %get3A_28] : memref<1024x512xbf16, #tpu.memory_space<vmem>>, vector<1024x512xbf16>
    %dot_general3A_30 = arith.constant dense<0.000000e+00> : vector<512x512xf32>
    %dot_general3A_31 = tpu.matmul %convert_element_type3A_26, %get3A_29, %dot_general3A_30 {dimension_numbers = #tpu.dot_dimension_numbers<[1], [0], [0], [1], [0, 0, 1, 1], [], []>, transpose_lhs_hint = false} : vector<512x1024xbf16>, vector<1024x512xbf16>, vector<512x512xf32> -> vector<512x512xf32>
    %get3A_32 = arith.constant 0 : index
    %get3A_33 = arith.constant 0 : index
    %get3A_34 = vector.load %arg7[%get3A_32, %get3A_33] : memref<1x512xf32, #tpu.memory_space<vmem>>, vector<1x512xf32>
    %add3A_35 = vector.broadcast %get3A_34 : vector<1x512xf32> to vector<512x512xf32>
    %add3A_36 = arith.addf %dot_general3A_31, %add3A_35 : vector<512x512xf32>
    %max3A_37 = arith.constant 0.000000e+00 : f32
    %max3A_38 = vector.broadcast %max3A_37 : f32 to vector<512x512xf32>
    %max3A_39 = arith.maximumf %add3A_36, %max3A_38 : vector<512x512xf32>
    %convert_element_type3A_40 = arith.truncf %max3A_39 : vector<512x512xf32> to vector<512x512xbf16>
    %get3A_41 = arith.constant 0 : index
    %get3A_42 = arith.constant 0 : index
    %get3A_43 = vector.load %arg8[%get3A_41, %get3A_42] : memref<512x256xbf16, #tpu.memory_space<vmem>>, vector<512x256xbf16>
    %dot_general3A_44 = arith.constant dense<0.000000e+00> : vector<512x256xf32>
    %dot_general3A_45 = tpu.matmul %convert_element_type3A_40, %get3A_43, %dot_general3A_44 {dimension_numbers = #tpu.dot_dimension_numbers<[1], [0], [0], [1], [0, 0, 1, 1], [], []>, transpose_lhs_hint = false} : vector<512x512xbf16>, vector<512x256xbf16>, vector<512x256xf32> -> vector<512x256xf32>
    %get3A_46 = arith.constant 0 : index
    %get3A_47 = arith.constant 0 : index
    %get3A_48 = vector.load %arg9[%get3A_46, %get3A_47] : memref<1x256xf32, #tpu.memory_space<vmem>>, vector<1x256xf32>
    %add3A_49 = vector.broadcast %get3A_48 : vector<1x256xf32> to vector<512x256xf32>
    %add3A_50 = arith.addf %dot_general3A_45, %add3A_49 : vector<512x256xf32>
    %max3A_51 = arith.constant 0.000000e+00 : f32
    %max3A_52 = vector.broadcast %max3A_51 : f32 to vector<512x256xf32>
    %max3A_53 = arith.maximumf %add3A_50, %max3A_52 : vector<512x256xf32>
    %convert_element_type3A_54 = arith.truncf %max3A_53 : vector<512x256xf32> to vector<512x256xbf16>
    %get3A_55 = arith.constant 0 : index
    %get3A_56 = arith.constant 0 : index
    %get3A_57 = vector.load %arg10[%get3A_55, %get3A_56] : memref<256x128xbf16, #tpu.memory_space<vmem>>, vector<256x128xbf16>
    %dot_general3A_58 = arith.constant dense<0.000000e+00> : vector<512x128xf32>
    %dot_general3A_59 = tpu.matmul %convert_element_type3A_54, %get3A_57, %dot_general3A_58 {dimension_numbers = #tpu.dot_dimension_numbers<[1], [0], [0], [1], [0, 0, 1, 1], [], []>, transpose_lhs_hint = false} : vector<512x256xbf16>, vector<256x128xbf16>, vector<512x128xf32> -> vector<512x128xf32>
    %get3A_60 = arith.constant 0 : index
    %get3A_61 = arith.constant 0 : index
    %get3A_62 = vector.load %arg11[%get3A_60, %get3A_61] : memref<1x128xf32, #tpu.memory_space<vmem>>, vector<1x128xf32>
    %add3A_63 = vector.broadcast %get3A_62 : vector<1x128xf32> to vector<512x128xf32>
    %add3A_64 = arith.addf %dot_general3A_59, %add3A_63 : vector<512x128xf32>
    %convert_element_type3A_65 = arith.truncf %add3A_64 : vector<512x128xf32> to vector<512x128xbf16>
    %get3A_66 = arith.constant 0 : index
    %get3A_67 = arith.constant 0 : index
    %get3A_68 = vector.load %arg12[%get3A_66, %get3A_67] : memref<128x256xbf16, #tpu.memory_space<vmem>>, vector<128x256xbf16>
    %dot_general3A_69 = arith.constant dense<0.000000e+00> : vector<512x256xf32>
    %dot_general3A_70 = tpu.matmul %convert_element_type3A_65, %get3A_68, %dot_general3A_69 {dimension_numbers = #tpu.dot_dimension_numbers<[1], [0], [0], [1], [0, 0, 1, 1], [], []>, transpose_lhs_hint = false} : vector<512x128xbf16>, vector<128x256xbf16>, vector<512x256xf32> -> vector<512x256xf32>
    %get3A_71 = arith.constant 0 : index
    %get3A_72 = arith.constant 0 : index
    %get3A_73 = vector.load %arg13[%get3A_71, %get3A_72] : memref<1x256xf32, #tpu.memory_space<vmem>>, vector<1x256xf32>
    %add3A_74 = vector.broadcast %get3A_73 : vector<1x256xf32> to vector<512x256xf32>
    %add3A_75 = arith.addf %dot_general3A_70, %add3A_74 : vector<512x256xf32>
    %gt3A = arith.constant 0.000000e+00 : f32
    %gt3A_76 = vector.broadcast %gt3A : f32 to vector<512x256xf32>
    %gt3A_77 = arith.cmpf ogt, %add3A_75, %gt3A_76 : vector<512x256xf32>
    %min3A = arith.constant 0.000000e+00 : f32
    %min3A_78 = vector.broadcast %min3A : f32 to vector<512x256xf32>
    %min3A_79 = arith.minimumf %add3A_75, %min3A_78 : vector<512x256xf32>
    %exp3A = math.exp %min3A_79 : vector<512x256xf32>
    %sub3A = arith.constant 1.000000e+00 : f32
    %sub3A_80 = vector.broadcast %sub3A : f32 to vector<512x256xf32>
    %sub3A_81 = arith.subf %exp3A, %sub3A_80 : vector<512x256xf32>
    %select_n3A = arith.select %gt3A_77, %add3A_75, %sub3A_81 : vector<512x256xi1>, vector<512x256xf32>
    %swap3A = arith.constant 0 : index
    %swap3A_82 = arith.constant 0 : index
    %swap3A_83 = vector.load %arg14[%swap3A, %swap3A_82] : memref<512x256xf32, #tpu.memory_space<vmem>>, vector<512x256xf32>
    tpu.vector_store %arg14[%swap3A, %swap3A_82], %select_n3A {strides = array<i32>} : memref<512x256xf32, #tpu.memory_space<vmem>>, vector<512x256xf32>,
    return
  }
  func.func @transform_0(%arg0: i32) -> (i32, i32) {
    %c0_i32 = arith.constant 0 : i32
    %c0_i32_0 = arith.constant 0 : i32
    return %arg0, %c0_i32 : i32, i32
  }
  func.func @transform_1(%arg0: i32) -> (i32, i32) {
    %c0_i32 = arith.constant 0 : i32
    %c0_i32_0 = arith.constant 0 : i32
    %c0_i32_1 = arith.constant 0 : i32
    return %c0_i32, %c0_i32_0 : i32, i32
  }
  func.func @transform_2(%arg0: i32) -> (i32, i32) {
    %c0_i32 = arith.constant 0 : i32
    %c0_i32_0 = arith.constant 0 : i32
    %c0_i32_1 = arith.constant 0 : i32
    return %c0_i32, %c0_i32_0 : i32, i32
  }
  func.func @transform_3(%arg0: i32) -> (i32, i32) {
    %c0_i32 = arith.constant 0 : i32
    %c0_i32_0 = arith.constant 0 : i32
    %c0_i32_1 = arith.constant 0 : i32
    return %c0_i32, %c0_i32_0 : i32, i32
  }
  func.func @transform_4(%arg0: i32) -> (i32, i32) {
    %c0_i32 = arith.constant 0 : i32
    %c0_i32_0 = arith.constant 0 : i32
    %c0_i32_1 = arith.constant 0 : i32
    return %c0_i32, %c0_i32_0 : i32, i32
  }
  func.func @transform_5(%arg0: i32) -> (i32, i32) {
    %c0_i32 = arith.constant 0 : i32
    %c0_i32_0 = arith.constant 0 : i32
    %c0_i32_1 = arith.constant 0 : i32
    return %c0_i32, %c0_i32_0 : i32, i32
  }
  func.func @transform_6(%arg0: i32) -> (i32, i32) {
    %c0_i32 = arith.constant 0 : i32
    %c0_i32_0 = arith.constant 0 : i32
    %c0_i32_1 = arith.constant 0 : i32
    return %c0_i32, %c0_i32_0 : i32, i32
  }
  func.func @transform_7(%arg0: i32) -> (i32, i32) {
    %c0_i32 = arith.constant 0 : i32
    %c0_i32_0 = arith.constant 0 : i32
    %c0_i32_1 = arith.constant 0 : i32
    return %c0_i32, %c0_i32_0 : i32, i32
  }
  func.func @transform_8(%arg0: i32) -> (i32, i32) {
    %c0_i32 = arith.constant 0 : i32
    %c0_i32_0 = arith.constant 0 : i32
    %c0_i32_1 = arith.constant 0 : i32
    return %c0_i32, %c0_i32_0 : i32, i32
  }
  func.func @transform_9(%arg0: i32) -> (i32, i32) {
    %c0_i32 = arith.constant 0 : i32
    %c0_i32_0 = arith.constant 0 : i32
    %c0_i32_1 = arith.constant 0 : i32
    return %c0_i32, %c0_i32_0 : i32, i32
  }
  func.func @transform_10(%arg0: i32) -> (i32, i32) {
    %c0_i32 = arith.constant 0 : i32
    %c0_i32_0 = arith.constant 0 : i32
    %c0_i32_1 = arith.constant 0 : i32
    return %c0_i32, %c0_i32_0 : i32, i32
  }
  func.func @transform_11(%arg0: i32) -> (i32, i32) {
    %c0_i32 = arith.constant 0 : i32
    %c0_i32_0 = arith.constant 0 : i32
    %c0_i32_1 = arith.constant 0 : i32
    return %c0_i32, %c0_i32_0 : i32, i32
  }
  func.func @transform_12(%arg0: i32) -> (i32, i32) {
    %c0_i32 = arith.constant 0 : i32
    %c0_i32_0 = arith.constant 0 : i32
    %c0_i32_1 = arith.constant 0 : i32
    return %c0_i32, %c0_i32_0 : i32, i32
  }
  func.func @transform_13(%arg0: i32) -> (i32, i32) {
    %c0_i32 = arith.constant 0 : i32
    %c0_i32_0 = arith.constant 0 : i32
    return %arg0, %c0_i32 : i32, i32
  }
}

</mosaic_0001>

<sc_bundles>
// kernel: sparse-core-data-format-call.cloned.1.call-start
scs
called_computation_lowered:
.L_overlay_start_0:
0x0: {  	s2 =	sld [smem:$0x3FD9]  }
0x1: {  	s3 =	sld [smem:$0x3FFE];
	_ =	sdelay $0x1  }
0x2: {  	s1 =	srdreg.scid  }
0x3: {  	s0 =	sand.u32 $0x1, s1  }
0x4: {  	s18 =	sshll.u32 s0, $0xA;
	s2 =	sadd.s32 s3, s2  }
0x5: {  	s2 =	sadd.s32 s2, s18  }
0x6: {  	[smem:$0x3FBB] =	sst s2  }
0x7: {  	_ = 	snop  }
0x8: {  	s2 =	sld [smem:$0x3FC9];
	(tm) =	ssettm $0x1  }
0x9: {  	s19 =	sld [smem:$0x3FFB];
	_ =	sdelay $0x3  }
0xa: {  	_ =	strace s19  }
0xb: {  	s3 =	sld [smem:$0x3FFC];
	_ =	sdelay $0x3  }
0xc: {  	_ =	strace s3  }
0xd: {  	s3 =	sld [smem:$0x3FFD];
	_ =	sdelay $0x3  }
0xe: {  	_ =	strace s3  }
0xf: {  	_ =	strace $0x8FFFFFFF  }
0x10: {  	s20 =	sld [smem:$0x3FDB];
	_ =	sdelay $0x1  }
0x11: {  	s4 =	simm.s32 $_scs_section_size  }
0x12: {  	s5 =	simm.s32 $_size__tile_overlayer_lowered;
	s6 =	simm.s32 $_tile_overlayer_lowered  }
0x13: {  	s23 =	simm.s32 $0x1BFF;
	s22 =	sshll.u32 s6, $0x1;
	s3 =	sadd.s32 s4, s20  }
0x14: {  	s7 =	simm.s32 $0x0;
	s21 =	sshll.u32 s5, $0x1;
	s5 =	sadd.s32 s22, s3  }
0x15: {  	[timem:s7], [sflag:s23] =	dma.local [hbm:s5], s21  }
0x16: {  	_ =	swait.ge [sflag:s23], s21  }
0x17: {  	s4 =	ssub.s32 $0x0, s21;
	[sflag:s23] =	ssyncset.done $0x0  }
0x18: {  	[sflag:s23] =	ssyncadd.s32 s4;
	_ =	sdelay $0x1  }
0x19: {  	s24 =	simm.s32 $0x1B8B  }
0x1a: {  	_ =	swait.ge [sflag:s24], $0x1  }
0x1b: {  	[sflag:s24] =	ssyncset.done $0x0  }
0x1c: {  	s26 =	simm.s32 $0x1B8E;
	s25 =	sld [smem:$0x3FFE];
	[sflag:s24] =	ssyncadd.s32 $0xFFFFFFFF  }
0x1d: {  	s27 =	simm.s32 $execute0_lowered;
	[smem:$0x3FD2] =	sst s26  }
0x1e: {  	s5 =	sshll.u32 s27, $0x1;
	_ =	strace $0x80000046;
	[dreg:$0x1] =	wrdreg $0xFFFFFFFF  }
0x1f: {  	s28 =	simm.s32 $_size_execute0_lowered;
	s3 =	sadd.s32 s3, s5;
	[dreg:$0x0] =	wrdreg $0x0  }
0x20: {  	s5 =	sshll.u32 s28, $0x1;
	[dreg:$0x2] =	wrdreg s3  }
0x21: {  	[dreg:$0x3] =	wrdreg s5  }
0x22: {  	[dreg:$0x4] =	wrdreg $0xC0  }
0x23: {  	_ =	task [dreg:s7], $0x5FFFF  }
0x24: {  	[dreg:$0x1] =	wrdreg $0xFFFFFFFF  }
0x25: {  	[dreg:$0x0] =	wrdreg $0x60  }
0x26: {  	[dreg:$0x2] =	wrdreg s2  }
0x27: {  	[dreg:$0x3] =	wrdreg s25  }
0x28: {  	[dreg:$0x4] =	wrdreg $0x9  }
0x29: {  	_ =	task.clear_ibuf [dreg:s7], $0x5FFFF;
	_ =	strace $0x90000046  }
0x2a: {  	s29 =	simm.s32 $0x9;
	_ =	strace $0x80000048  }
0x2b: {  	_ =	swait.ge [sflag:s29], $0x1  }
0x2c: {  	[sflag:s29] =	ssyncadd.s32 $0xFFFFFFFF  }
0x2d: {  	_ =	strace $0x90000048  }
0x2e: {  	_ =	sfence  }
0x2f: {  	s30 =	sld [smem:$0x0];
	_ =	sdelay $0x2  }
0x30: {  	s31 =	sshll.u32 s1, $0xD;
	s1 =	sshrl.u32 s1, $0x2  }
0x31: {  	s3 =	sand.u32 $0x4000, s31;
	s1 =	sadd.s32 s1, s30  }
0x32: {  	s0 =	sor.u32 s3, s0;
	s1 =	sshll.u32 s1, $0x11  }
0x33: {  	s0 =	sor.u32 s1, s0  }
0x34: {  	s0 =	sadd.s32 $0x8F2B, s0  }
0x35: {  	[sflag:s0] =	ssyncadd.remote.s32 $0x1  }
0x36: {  	_ =	sfence.sel $0xFFFF  }
0x37: {  	[dreg:$0x0] =	wrdreg $0xFFFFFFFF;
	(pc) =	sbr.abs _section_cstart, $3  }
0x38: {  	[dreg:$0x1] =	wrdreg $0xFFFFFFFF  }
0x39: {  	_ =	task.clear_ibuf [dreg:s7], $0x2FFFF;
	_ =	strace $0x9FFFFFFF  }
0x3a: {  	(tm) =	ssettm $0x7FFFFFFF  }
0x3b: {  	_ =	shalt  }
tec
execute0_lowered:
.L_overlay_start_1:
0x0: {  	(tag) =	ssettag $0x1  }
0x1: {  	s2 =	rddreg [dreg:$0x0]  }
0x2: {  	s1 =	rddreg [dreg:$0x1]  }
0x3: {  	s0 =	rddreg [dreg:$0x2];
	_ =	strace $0x80000047;
	s4 =	srdreg.scid  }
.Ltmp0:
0x4: {  	s6 =	simm.s32 $0x2;
	p0 =	por $0x0, $0x0;
	(pc) =	sbr.rel .LBB1_1-.Ltmp0, $4  }
0x5: {  	s9 =	simm.s32 $0x0;
	s3 =	sadd.s32 $0x1E00, s1;
	s5 =	sshll.u32 s4, $0x4  }
0x6: {  	s1 =	stileid.u32;
	s4 =	simm.s32 $0x1;
	s5 =	sand.u32 $0x10, s5  }
0x7: {  	s7 =	simm.s32 $0x0;
	[sflag:s4] =	ssyncpa.u1 $0x0;
	s5 =	sor.u32 s1, s5  }
0x8: {  	[sflag:s6] =	ssyncpa.u1 $0x0;
	s6 =	simm.s32 $0x0;
	s8 =	smov.u32 s5  }
.LBB1_7:
0x9: {  	s11 =	sadd.s32 $0x20, s8  }
0xa: {  	p1 =	slt.u32 s7, $0x2;
	s7 =	sadd.s32 $0x1, s7;
	p2 =	sgt.s32 s11, $0x7FF  }
0xb: {  	s11 =	smov.u32 @p2 s5;
	p2 =	sne.s32 s7, $0x42  }
.Ltmp1:
0xc: {  	_ = 	snop;
	(pc) =	sbr.rel @!p2 .LBB1_8-.Ltmp1, $4  }
0xd: {  	s10 =	simm.s32 @!p1 $0x2  }
0xe: {  	_ =	swait.ge @!p1 [sflag:s10], $0x4000  }
0xf: {  	s9 =	smov.u32 s8;
	[sflag:s10] =	ssyncset.done @!p1 $0x0  }
0x10: {  	p0 =	por !p0, !p0;
	s8 =	smov.u32 s11;
	[sflag:s10] =	ssyncadd.s32 @!p1 $0xFFFFC000  }
.LBB1_1:
0x11: {  	p1 =	sgt.u32 s7, $0x3F  }
0x12: {  	s10 =	sxor.u32 @!p1 $0xFFFFFFFF, s7  }
0x13: {  	s11 =	sshll.u32 @!p1 s8, $0xB;
	s10 =	sshll.u32 @!p1 s10, $0xE  }
0x14: {  	s12 =	simm.s32 @!p1 $0x0;
	s11 =	sadd.s32 @!p1 s2, s11;
	s10 =	sand.u32 @!p1 $0x4000, s10  }
0x15: {  	[tilespmem:s10], [sflag:$0x1] =	stream.linear.gather @!p1 [hbm4b:s11+s12], $0x4000, $0x38;
	[tilespmem:$0x10000] =	vst v63  }
0x16: {  	p1 =	seq.s32 s7, $0x0  }
0x17: {  	p2 =	seq.s32 @!p1 s7, $0x41  }
0x18: {  	p1 =	por p1, p2  }
.Ltmp2:
0x19: {  	_ = 	snop;
	(pc) =	sbr.rel @p1 .LBB1_7-.Ltmp2, $1  }
0x1a: {  	_ =	sdelay $0x3  }
0x1b: {  	s10 =	simm.s32 $0x1;
	_ =	swait.ge [sflag:s4], $0x4000;
	s12 =	sshll.u32 s7, $0xE  }
0x1c: {  	s13 =	simm.s32 $0x0;
	s10 =	simm.s32 @!p0 $0x0;
	[sflag:s4] =	ssyncset.done $0x0  }
0x1d: {  	s12 =	sand.u32 $0x4000, s12;
	s11 =	sshll.u32 s10, $0xE;
	[sflag:s4] =	ssyncadd.s32 $0xFFFFC000  }
0x1e: {  	s12 =	sor.u32 $0x8000, s12;
	s10 =	sor.u32 $0x8040, s11;
	s11 =	sor.u32 $0x40, s11  }
.LBB1_3:
0x1f: {  	v0 =	vmov s11;
	_ =	sdelay $0x3  }
0x20: {  	s15 =	simm.s32 $0x0  }
0x21: {  	v6 =	vld.idx.msk [tilespmem:v0+s15+$0x30 ss:$0x1], $0xffff  }
0x22: {  	v7 =	vld.idx.msk [tilespmem:v0+s15+$0xFFFFFFC0 ss:$0x1], $0xffff  }
0x23: {  	v5 =	vld.idx.msk [tilespmem:v0+s15+$0xFFFFFFD0 ss:$0x1], $0xffff  }
0x24: {  	v4 =	vld.idx.msk [tilespmem:v0+s15+$0xFFFFFFE0 ss:$0x1], $0xffff  }
0x25: {  	v3 =	vld.idx.msk [tilespmem:v0+s15+$0xFFFFFFF0 ss:$0x1], $0xffff  }
0x26: {  	v1 =	vld.idx.msk [tilespmem:v0+s15+$0x0 ss:$0x1], $0xffff  }
0x27: {  	v2 =	vld.idx.msk [tilespmem:v0+s15+$0x10 ss:$0x1], $0xffff;
	[tilespmem:s10+$0x30] =	vst v6  }
0x28: {  	s14 =	simm.s32 $0x80;
	s16 =	simm.s32 $0x400;
	[tilespmem:s10+$0xFFFFFFC0] =	vst v7;
	v6 =	vld.idx.msk [tilespmem:v0+s15+$0x20 ss:$0x1], $0xffff;
	s15 =	smov.u32 s10  }
.LBB1_4:
0x29: {  	p1 =	sne.s32 s16, $0x1E00;
	v7 =	vld.idx.msk [tilespmem:v0+s14+$0x30 ss:$0x1], $0xffff;
	[tilespmem:s15+$0xFFFFFFD0] =	vst v5  }
0x2a: {  	v8 =	vld.idx.msk [tilespmem:v0+s14+$0xFFFFFFC0 ss:$0x1], $0xffff;
	[tilespmem:s15+$0xFFFFFFE0] =	vst v4  }
0x2b: {  	v5 =	vld.idx.msk [tilespmem:v0+s14+$0xFFFFFFD0 ss:$0x1], $0xffff;
	[tilespmem:s15+$0xFFFFFFF0] =	vst v3  }
.Ltmp3:
0x2c: {  	v4 =	vld.idx.msk [tilespmem:v0+s14+$0xFFFFFFE0 ss:$0x1], $0xffff;
	[tilespmem:s15+$0x0] =	vst v1;
	(pc) =	sbr.rel @p1 .LBB1_4-.Ltmp3, $4  }
0x2d: {  	v3 =	vld.idx.msk [tilespmem:v0+s14+$0xFFFFFFF0 ss:$0x1], $0xffff;
	[tilespmem:s15+$0x10] =	vst v2  }
0x2e: {  	v1 =	vld.idx.msk [tilespmem:v0+s14+$0x0 ss:$0x1], $0xffff;
	[tilespmem:s15+$0x20] =	vst v6;
	s15 =	sadd.s32 $0x400, s15  }
0x2f: {  	v2 =	vld.idx.msk [tilespmem:v0+s14+$0x10 ss:$0x1], $0xffff;
	[tilespmem:s15+$0x30] =	vst v7  }
0x30: {  	[tilespmem:s15+$0xFFFFFFC0] =	vst v8;
	v6 =	vld.idx.msk [tilespmem:v0+s14+$0x20 ss:$0x1], $0xffff;
	s14 =	sshra.s32 s16, $0x2;
	s16 =	sadd.s32 $0x200, s16  }
0x31: {  	_ =	sdelay $0x2  }
0x32: {  	[tilespmem:s15+$0xFFFFFFD0] =	vst v5  }
0x33: {  	v56 =	vld.idx.msk [tilespmem:v0+s14+$0x30 ss:$0x1], $0xffff;
	[tilespmem:s15+$0xFFFFFFE0] =	vst v4  }
0x34: {  	v57 =	vld.idx.msk [tilespmem:v0+s14+$0xFFFFFFC0 ss:$0x1], $0xffff;
	[tilespmem:s15+$0xFFFFFFF0] =	vst v3  }
0x35: {  	v58 =	vld.idx.msk [tilespmem:v0+s14+$0xFFFFFFD0 ss:$0x1], $0xffff;
	[tilespmem:s15+$0x0] =	vst v1  }
0x36: {  	v59 =	vld.idx.msk [tilespmem:v0+s14+$0xFFFFFFE0 ss:$0x1], $0xffff;
	[tilespmem:s15+$0x10] =	vst v2  }
0x37: {  	v60 =	vld.idx.msk [tilespmem:v0+s14+$0xFFFFFFF0 ss:$0x1], $0xffff;
	s31 =	sadd.s32 $0x400, s15;
	[tilespmem:s15+$0x20] =	vst v6  }
0x38: {  	v61 =	vld.idx.msk [tilespmem:v0+s14+$0x0 ss:$0x1], $0xffff;
	[tilespmem:s31+$0x30] =	vst v56  }
0x39: {  	v62 =	vld.idx.msk [tilespmem:v0+s14+$0x10 ss:$0x1], $0xffff;
	s13 =	sadd.s32 $0x1, s13;
	[tilespmem:s31+$0xFFFFFFC0] =	vst v57  }
0x3a: {  	v63 =	vld.idx.msk [tilespmem:v0+s14+$0x20 ss:$0x1], $0xffff;
	p1 =	sne.s32 s13, $0x8;
	[tilespmem:s31+$0xFFFFFFD0] =	vst v58  }
.Ltmp4:
0x3b: {  	[tilespmem:s31+$0xFFFFFFE0] =	vst v59;
	(pc) =	sbr.rel @p1 .LBB1_3-.Ltmp4, $4  }
0x3c: {  	[tilespmem:s31+$0xFFFFFFF0] =	vst v60  }
0x3d: {  	[tilespmem:s31+$0x0] =	vst v61  }
0x3e: {  	[tilespmem:s31+$0x10] =	vst v62  }
0x3f: {  	s10 =	sadd.s32 $0x80, s10;
	s11 =	sadd.s32 $0x800, s11;
	[tilespmem:s31+$0x20] =	vst v63  }
.Ltmp5:
0x40: {  	(pc) =	sbr.rel .LBB1_7-.Ltmp5, $4  }
0x41: {  	_ = 	snop  }
0x42: {  	s9 =	sshll.u32 s9, $0xB  }
0x43: {  	s9 =	sadd.s32 s3, s9  }
0x44: {  	[hbm4b:s9+s6] =	stream.linear.scatter [tilespmem:s12], [sflag:$0x2], $0x4000, $0x38;
	[tilespmem:$0x10000] =	vst v63  }
.LBB1_8:
0x45: {  	_ =	sfence.sel $0x180000  }
0x46: {  	s2 =	simm.s32 $0x1;
	[bflag:$0x0] =	sbarrier.arrive $0xFFFF  }
0x47: {  	s31 =	simm.s32 $0x2;
	[sflag:s2] =	ssyncpa.u1 $0x1  }
0x48: {  	[sflag:s31] =	ssyncpa.u1 $0x1  }
0x49: {  	p0 =	sne.s32 s1, $0x0;
	_ =	strace $0x90000047  }
0x4a: {  	s0 =	sadd.s32 @!p0 $0x100000, s0;
	[bflag:$0x2] =	sbarrier.arrive $0xFFFF  }
0x4b: {  	[sflag:s0] =	ssyncadd.tile.s32 @!p0 $0x1;
	_ =	shalt  }
.Lfunc_end1:
_tile_overlayer_lowered:
.L_overlay_start_2:
0x4c: {  	(tag) =	ssettag $0x2  }
0x4d: {  	s0 =	rddreg [dreg:$0x0];
	s2 =	stileid.u32  }
0x4e: {  	s1 =	rddreg [dreg:$0x1];
	p0 =	sne.s32 s2, $0x0  }
0x4f: {  	s3 =	rddreg [dreg:$0x2];
	[bflag:$0x3] =	sbarrier.arrive $0xFFFF;
	s2 =	simm.s32 @!p0 $0x1C01  }
0x50: {  	[timem:s3], [sflag:s2] =	dma.local @!p0 [hbm:s0], s1  }
0x51: {  	s0 =	simm.s32 @!p0 $0x1  }
0x52: {  	_ =	swait.ge @!p0 [sflag:s0], s1  }
0x53: {  	s1 =	ssub.s32 @!p0 $0x0, s1;
	[sflag:s0] =	ssyncset.done @!p0 $0x0  }
0x54: {  	[sflag:s0] =	ssyncadd.s32 @!p0 s1  }
0x55: {  	[bflag:$0x3] =	sbarrier.arrive $0xFFFF  }
0x56: {  	_ =	shalt  }

</sc_bundles>
